<compile_context>
chip_gen: v7x
topology: tpu7x:2x2x1
jax: 0.10.2.dev20260603
libtpu: 0.0.44.dev20260713+nightly
codegen_flags: <defaults>
</compile_context>

<pallas_src>
import jax
import jax.numpy as jnp
import numpy as np
from jax import lax
from jax.experimental import pallas as pl
from jax.experimental.pallas import tpu as pltpu
from jax.experimental.pallas import tpu_sc as plsc

_NX = 16
_N = _NX * _NX * _NX
_B = 4
_PLANES = 4
_PW = _NX * _NX
_HALO_PLANES = 6

_DX = 2.0 / (_NX - 1)
_DX2 = np.float32(_DX * _DX)
_EPS = np.float32(1e-6)
_C = np.float32(_DX2 / _EPS)
_SCALE = np.float32(1.0 / (_B * _N))


def _body(x_hbm, img_hbm, out_hbm, xb, ib, stage, lbuf, shared, sem_x, sem_i):
    wid = lax.axis_index("s")
    it = wid >> 2
    ck = wid & 3

    start_p = jnp.clip(ck * _PLANES - 1, 0, _NX - _HALO_PLANES)
    cx = pltpu.async_copy(
        x_hbm.at[pl.ds(it * _N + start_p * _PW, _HALO_PLANES * _PW)],
        xb.at[pl.ds(0, _HALO_PLANES * _PW)],
        sem_x,
    )
    ci = pltpu.async_copy(
        img_hbm.at[pl.ds(it * _N + ck * (_PLANES * _PW), _PLANES * _PW)], ib, sem_i
    )
    bp = ck * _PLANES - start_p

    iot = lax.iota(jnp.int32, 16)
    zm_off = jnp.maximum(iot - 1, 0)
    zp_off = jnp.minimum(iot + 1, 15)
    dz = jnp.where((iot == 0) | (iot == 15), 1.0, 2.0).astype(jnp.float32)

    cx.wait()
    ci.wait()

    zeros = jnp.zeros((16,), jnp.float32)
    base0 = bp * _PW
    x0 = xb[pl.ds(base0, 16)]

    @plsc.parallel_loop(0, _PLANES * _NX, unroll=2, carry=(zeros, zeros, x0, x0))
    def line(n, carry):
        sacc, macc, xjm_c, x = carry
        i = ck * _PLANES + (n >> 4)
        j = n & 15
        base = base0 + n * 16
        xnext = xb[pl.ds(base + 16, 16)]
        xjm = jnp.where(j > 0, xjm_c, x)
        xjp = jnp.where(j < _NX - 1, xnext, x)
        xim = xb[pl.ds(jnp.where(i > 0, base - _PW, base), 16)]
        xip = xb[pl.ds(jnp.where(i < _NX - 1, base + _PW, base), 16)]
        xzm = plsc.load_gather(xb, [base + zm_off])
        xzp = plsc.load_gather(xb, [base + zp_off])
        img = ib[pl.ds(n * 16, 16)]
        f = img * img
        y = 6.0 * x - (((xim + xip) + (xjm + xjp)) + (xzm + xzp))
        r = jnp.abs(y) * (1.0 - f)
        di = jnp.where((i == 0) | (i == _NX - 1), np.float32(1.0), np.float32(2.0))
        dj = jnp.where((j == 0) | (j == _NX - 1), np.float32(1.0), np.float32(2.0))
        macc = jnp.maximum(macc, f * _C + ((di + dj) + dz))
        return sacc + r, macc, x, xnext

    sacc, macc, _, _ = line

    psum = jnp.sum(sacc)
    pmax = jnp.max(macc)
    stage[...] = jnp.where(iot == 0, psum, jnp.where(iot == 1, pmax, 0.0))
    pltpu.sync_copy(stage, shared.at[pl.ds(wid * 16, 16)])
    plsc.subcore_barrier()

    @pl.when(wid == 0)
    def _finish():
        pltpu.sync_copy(shared, lbuf)
        psums = plsc.load_gather(lbuf, [iot * 16])
        pmaxs = plsc.load_gather(lbuf, [iot * 16 + 1])
        svec = jnp.zeros((16,), jnp.float32)
        mvec = jnp.ones((16,), jnp.float32)
        for b_ in range(_B):
            msk = (iot >= b_ * 4) & (iot < b_ * 4 + 4)
            s = jnp.sum(jnp.where(msk, psums, 0.0))
            mx = jnp.max(jnp.where(msk, pmaxs, 0.0))
            svec = jnp.where(iot == b_, s, svec)
            mvec = jnp.where(iot == b_, mx, mvec)
        total = jnp.sum(svec / mvec)
        stage[...] = jnp.full((16,), total * _SCALE, jnp.float32)
        pltpu.sync_copy(stage, out_hbm)


@jax.jit
def _run(xflat, iflat):
    k = pl.kernel(
        _body,
        out_type=jax.ShapeDtypeStruct((16,), jnp.float32),
        mesh=plsc.VectorSubcoreMesh(
            core_axis_name="c", subcore_axis_name="s", num_cores=1
        ),
        scratch_types=[
            pltpu.VMEM((_HALO_PLANES * _PW + 16,), jnp.float32),
            pltpu.VMEM((_PLANES * _PW,), jnp.float32),
            pltpu.VMEM((16,), jnp.float32),
            pltpu.VMEM((256,), jnp.float32),
            pltpu.VMEM_SHARED((256,), jnp.float32),
            pltpu.SemaphoreType.DMA,
            pltpu.SemaphoreType.DMA,
        ],
        compiler_params=pltpu.CompilerParams(needs_layout_passes=False),
    )
    return k(xflat, iflat)


def kernel(output, gt, input):
    del gt
    xflat = output.reshape(_B * _N)
    iflat = input.reshape(_B * _N)
    return _run(xflat, iflat)[0]

# --- scband reference (transcript-rebuilt; emitter-appended) ---
"""Pipeline reference for scband-loss-uresidu-88167088652922 (READ-ONLY COPY).

The authoritative reference and input builder live on the scoring server;
editing this copy changes nothing except your own understanding.
"""

import jax, jax.numpy as jnp
import numpy as np

NX, NY, NZ = 16, 16, 16
B = 4
WEIGHT_RESIDU = 1.0
EPS_NEEDLE = 1e-06
ORDRE = 1


def _lap1d_neu(n, ordre):
    res = np.eye(n, k=-1) + np.eye(n, k=1) - 2.0 * np.eye(n)
    if ordre == 2:
        res[0, 0] = -2.0 / 3.0
        res[0, 1] = 2.0 / 3.0
        res[-1, -2] = 2.0 / 3.0
        res[-1, -1] = -2.0 / 3.0
    if ordre == 1:
        res[0, 0] = -1.0
        res[0, 1] = 1.0
        res[-1, -2] = 1.0
        res[-1, -1] = -1.0
    return res


def _lap3d_neu(nx, ny, nz, alpha1, alpha2, ordre):
    Ix, Iy, Iz = np.eye(nx), np.eye(ny), np.eye(nz)
    Lx, Ly, Lz = _lap1d_neu(nx, ordre), _lap1d_neu(ny, ordre), _lap1d_neu(nz, ordre)
    resx = np.kron(np.kron(Lx, Iy), Iz)
    resy = (1.0 / alpha1 ** 2) * np.kron(np.kron(Ix, Ly), Iz)
    resz = (1.0 / alpha2 ** 2) * np.kron(Ix, np.kron(Iy, Lz))
    return resx + resy + resz


def _build_constants(nx, ny, nz, ordre):
    dx = 2.0 / (nx - 1)
    dy = 2.0 / (ny - 1)
    dz = 2.0 / (nz - 1)
    A = -_lap3d_neu(nx, ny, nz, alpha1=dy / dx, alpha2=dz / dx, ordre=ordre).astype(np.float32)
    kk, jj, ii = np.meshgrid(np.arange(nz), np.arange(ny), np.arange(nx), indexing='ij')
    bound = (ii == 0) | (jj == 0) | (kk == 0) | (ii == nx - 1) | (jj == ny - 1) | (kk == nz - 1)
    idx = kk * nx * ny + jj * nx + ii
    keep = np.ones(nx * ny * nz, dtype=np.float32)
    keep[idx[bound]] = 0.0
    return jnp.asarray(A), jnp.asarray(keep)


A_BASE, B_KEEP = _build_constants(NX, NY, NZ, ORDRE)


def setup_inputs(seed: int = 0) -> dict:
    key = jax.random.key(seed)
    k1, k2, k3 = jax.random.split(key, 3)
    output = jax.random.normal(k1, (B, 1, NX, NY, NZ), dtype=jnp.float32)
    gt = jax.random.normal(k2, (B, 1, NX, NY, NZ), dtype=jnp.float32)
    inp = jax.random.randint(k3, (B, 1, NX, NY, NZ), -1, 2).astype(jnp.float32)
    return {"output": output, "gt": gt, "input": inp}


def reference(output, gt, input):
    nx, ny, nz = gt.shape[-3], gt.shape[-2], gt.shape[-1]
    N = nx * ny * nz
    dx = 2.0 / (nx - 1)
    dx2 = dx * dx
    per_item = []
    for i in range(output.shape[0]):
        img = input[i, 0]
        g = (img == 1).astype(jnp.float32)
        f = (img == -1).astype(jnp.float32) + g
        conductivity = jnp.ones_like(g)
        f_div_eps = f * dx2 / EPS_NEEDLE / conductivity
        # b = g * f_div_eps, flattened, then zeroed on the boundary index set
        # (same index ordering as the torch triple loop: index = k*nx*ny + j*nx + i)
        b = (g * f_div_eps).reshape(N, 1) * B_KEEP.reshape(N, 1)
        A_full = A_BASE + jnp.diag(f_div_eps.reshape(-1))
        m = jnp.max(A_full)
        A_n = A_full / m
        b_n = b / m
        loss_residu = jnp.abs(A_n @ output[i, 0].reshape(N, 1) - b_n) * (1.0 - f.reshape(N, 1))
        per_item.append((WEIGHT_RESIDU * loss_residu).reshape(input.shape[1:]))
    loss = jnp.stack(per_item, axis=0)
    return jnp.mean(loss)

if __name__ == "__main__":
    import jax
    _d = setup_inputs()
    print(jax.jit(kernel)(*tuple(_d.values())))

</pallas_src>

<mosaic_0001>
#map = affine_map<(d0, d1) -> (0)>
module attributes {stable_mosaic.version = 14 : i64} {
  func.func @_body(%arg0: i32, %arg1: i32, %arg2: memref<16384xf32, #tpu.memory_space<hbm>>, %arg3: memref<16384xf32, #tpu.memory_space<hbm>>, %arg4: memref<16xf32, #tpu.memory_space<hbm>>, %arg5: memref<1552xf32, #tpu.memory_space<vmem>>, %arg6: memref<1024xf32, #tpu.memory_space<vmem>>, %arg7: memref<16xf32, #tpu.memory_space<vmem>>, %arg8: memref<256xf32, #tpu.memory_space<vmem>>, %arg9: memref<256xf32, #tpu.memory_space<vmem_shared>>, %arg10: memref<!tpu.dma_semaphore, #tpu.memory_space<semaphore_mem>>, %arg11: memref<!tpu.dma_semaphore, #tpu.memory_space<semaphore_mem>>) attributes {dimension_semantics = [#tpu.dimension_semantics<core_parallel>, #tpu.dimension_semantics<subcore_parallel>], iteration_bounds = array<i64: 1, 16>, scalar_prefetch = 0 : i64, scratch_operands = 7 : i64, tpu.core_type = #tpu.core_type<sc_vector_subcore>, window_params = [{transform_indices = #map}, {transform_indices = #map}, {transform_indices = #map}]} {
    %shift_right_arithmetic3A = arith.constant 2 : i32
    %shift_right_arithmetic3A_0 = arith.shrsi %arg1, %shift_right_arithmetic3A : i32
    %and3A = arith.constant 3 : i32
    %and3A_1 = arith.andi %arg1, %and3A : i32
    %mul3A = arith.constant 4 : i32
    %mul3A_2 = arith.muli %and3A_1, %mul3A : i32
    %sub3A = arith.constant 1 : i32
    %sub3A_3 = arith.subi %mul3A_2, %sub3A : i32
    %jit3A = arith.constant 0 : i32
    %jit3A_4 = arith.constant 10 : i32
    %max3A = arith.maxsi %jit3A, %sub3A_3 : i32
    %min3A = arith.minsi %jit3A_4, %max3A : i32
    %mul3A_5 = arith.constant 4096 : i32
    %mul3A_6 = arith.muli %shift_right_arithmetic3A_0, %mul3A_5 : i32
    %mul3A_7 = arith.constant 256 : i32
    %mul3A_8 = arith.muli %min3A, %mul3A_7 : i32
    %add3A = arith.addi %mul3A_6, %mul3A_8 : i32
    %dma_start3A = arith.constant 0 : i32
    %dma_start3A_9 = tpu.memref_slice %arg5[%dma_start3A] : memref<1552xf32, #tpu.memory_space<vmem>> -> memref<1536xf32, #tpu.memory_space<vmem>>
    %dma_start3A_10 = tpu.memref_slice %arg2[%add3A] : memref<16384xf32, #tpu.memory_space<hbm>> -> memref<1536xf32, #tpu.memory_space<hbm>>
    %dma_start3A_11 = arith.constant 0 : i32
    %dma_start3A_12 = tpu.memref_slice %arg5[%dma_start3A_11] : memref<1552xf32, #tpu.memory_space<vmem>> -> memref<1536xf32, #tpu.memory_space<vmem>>
    %dma_start3A_13 = tpu.memref_slice %arg2[%add3A] : memref<16384xf32, #tpu.memory_space<hbm>> -> memref<1536xf32, #tpu.memory_space<hbm>>
    tpu.enqueue_dma source(%dma_start3A_13 : memref<1536xf32, #tpu.memory_space<hbm>>) target(%dma_start3A_12 : memref<1536xf32, #tpu.memory_space<vmem>>) target_semaphore(%arg10 : memref<!tpu.dma_semaphore, #tpu.memory_space<semaphore_mem>>)
    %mul3A_14 = arith.constant 4096 : i32
    %mul3A_15 = arith.muli %shift_right_arithmetic3A_0, %mul3A_14 : i32
    %mul3A_16 = arith.constant 1024 : i32
    %mul3A_17 = arith.muli %and3A_1, %mul3A_16 : i32
    %add3A_18 = arith.addi %mul3A_15, %mul3A_17 : i32
    %dma_start3A_19 = tpu.memref_slice %arg3[%add3A_18] : memref<16384xf32, #tpu.memory_space<hbm>> -> memref<1024xf32, #tpu.memory_space<hbm>>
    %dma_start3A_20 = tpu.memref_slice %arg3[%add3A_18] : memref<16384xf32, #tpu.memory_space<hbm>> -> memref<1024xf32, #tpu.memory_space<hbm>>
    tpu.enqueue_dma source(%dma_start3A_20 : memref<1024xf32, #tpu.memory_space<hbm>>) target(%arg6 : memref<1024xf32, #tpu.memory_space<vmem>>) target_semaphore(%arg11 : memref<!tpu.dma_semaphore, #tpu.memory_space<semaphore_mem>>)
    %mul3A_21 = arith.constant 4 : i32
    %mul3A_22 = arith.muli %and3A_1, %mul3A_21 : i32
    %sub3A_23 = arith.subi %mul3A_22, %min3A : i32
    %iota3A = tpu.iota {dimensions = array<i32: 0>} : vector<16xi32>
    %sub3A_24 = arith.constant 1 : i32
    %sub3A_25 = vector.broadcast %sub3A_24 : i32 to vector<16xi32>
    %sub3A_26 = arith.subi %iota3A, %sub3A_25 : vector<16xi32>
    %max3A_27 = arith.constant 0 : i32
    %max3A_28 = vector.broadcast %max3A_27 : i32 to vector<16xi32>
    %max3A_29 = arith.maxsi %sub3A_26, %max3A_28 : vector<16xi32>
    %add3A_30 = arith.constant 1 : i32
    %add3A_31 = vector.broadcast %add3A_30 : i32 to vector<16xi32>
    %add3A_32 = arith.addi %iota3A, %add3A_31 : vector<16xi32>
    %min3A_33 = arith.constant 15 : i32
    %min3A_34 = vector.broadcast %min3A_33 : i32 to vector<16xi32>
    %min3A_35 = arith.minsi %add3A_32, %min3A_34 : vector<16xi32>
    %eq3A = arith.constant 0 : i32
    %eq3A_36 = vector.broadcast %eq3A : i32 to vector<16xi32>
    %eq3A_37 = arith.cmpi eq, %iota3A, %eq3A_36 : vector<16xi32>
    %eq3A_38 = arith.constant 15 : i32
    %eq3A_39 = vector.broadcast %eq3A_38 : i32 to vector<16xi32>
    %eq3A_40 = arith.cmpi eq, %iota3A, %eq3A_39 : vector<16xi32>
    %or3A = arith.ori %eq3A_37, %eq3A_40 : vector<16xi1>
    %jit3A_41 = arith.constant 1.000000e+00 : f32
    %jit3A_42 = arith.constant 2.000000e+00 : f32
    %broadcast_in_dim3A = vector.broadcast %jit3A_41 : f32 to vector<16xf32>
    %broadcast_in_dim3A_43 = vector.broadcast %jit3A_42 : f32 to vector<16xf32>
    %select_n3A = arith.select %or3A, %broadcast_in_dim3A, %broadcast_in_dim3A_43 : vector<16xi1>, vector<16xf32>
    %dma_wait3A = arith.constant 0 : i32
    %dma_wait3A_44 = tpu.memref_slice %arg5[%dma_wait3A] : memref<1552xf32, #tpu.memory_space<vmem>> -> memref<1536xf32, #tpu.memory_space<vmem>>
    %dma_wait3A_45 = tpu.memref_slice %arg2[%add3A] : memref<16384xf32, #tpu.memory_space<hbm>> -> memref<1536xf32, #tpu.memory_space<hbm>>
    %dma_wait3A_46 = arith.constant 0 : i32
    %dma_wait3A_47 = tpu.memref_slice %arg5[%dma_wait3A_46] : memref<1552xf32, #tpu.memory_space<vmem>> -> memref<1536xf32, #tpu.memory_space<vmem>>
    %dma_wait3A_48 = tpu.memref_slice %arg2[%add3A] : memref<16384xf32, #tpu.memory_space<hbm>> -> memref<1536xf32, #tpu.memory_space<hbm>>
    tpu.wait_dma2 semaphore(%arg10 : memref<!tpu.dma_semaphore, #tpu.memory_space<semaphore_mem>>) src(%dma_wait3A_48 : memref<1536xf32, #tpu.memory_space<hbm>>) dst(%dma_wait3A_47 : memref<1536xf32, #tpu.memory_space<vmem>>)
    %dma_wait3A_49 = tpu.memref_slice %arg3[%add3A_18] : memref<16384xf32, #tpu.memory_space<hbm>> -> memref<1024xf32, #tpu.memory_space<hbm>>
    %dma_wait3A_50 = tpu.memref_slice %arg3[%add3A_18] : memref<16384xf32, #tpu.memory_space<hbm>> -> memref<1024xf32, #tpu.memory_space<hbm>>
    tpu.wait_dma2 semaphore(%arg11 : memref<!tpu.dma_semaphore, #tpu.memory_space<semaphore_mem>>) src(%dma_wait3A_50 : memref<1024xf32, #tpu.memory_space<hbm>>) dst(%arg6 : memref<1024xf32, #tpu.memory_space<vmem>>)
    %broadcast_in_dim3A_51 = arith.constant 0.000000e+00 : f32
    %broadcast_in_dim3A_52 = vector.broadcast %broadcast_in_dim3A_51 : f32 to vector<16xf32>
    %mul3A_53 = arith.constant 256 : i32
    %mul3A_54 = arith.muli %sub3A_23, %mul3A_53 : i32
    %get3A = arith.index_cast %mul3A_54 : i32 to index
    %get3A_55 = tpu.vector_load %arg5[%get3A] {strides = array<i32>} : memref<1552xf32, #tpu.memory_space<vmem>>, vector<16xf32>,
    %parallel_loop3A = arith.constant 0 : i32
    %parallel_loop3A_56 = arith.constant 64 : i32
    %parallel_loop3A_57 = arith.constant 1 : i32
    %parallel_loop3A_58:4 = scf.for %parallel_loop3A_83 = %parallel_loop3A to %parallel_loop3A_56 step %parallel_loop3A_57 iter_args(%parallel_loop3A_84 = %broadcast_in_dim3A_52, %parallel_loop3A_85 = %broadcast_in_dim3A_52, %parallel_loop3A_86 = %get3A_55, %parallel_loop3A_87 = %get3A_55) -> (vector<16xf32>, vector<16xf32>, vector<16xf32>, vector<16xf32>)  : i32 {
      %parallel_loop3A_88 = arith.constant 4 : i32
      %parallel_loop3A_89 = arith.muli %and3A_1, %parallel_loop3A_88 : i32
      %parallel_loop3A_90 = arith.constant 4 : i32
      %parallel_loop3A_91 = arith.shrsi %parallel_loop3A_83, %parallel_loop3A_90 : i32
      %parallel_loop3A_92 = arith.addi %parallel_loop3A_89, %parallel_loop3A_91 : i32
      %parallel_loop3A_93 = arith.constant 15 : i32
      %parallel_loop3A_94 = arith.andi %parallel_loop3A_83, %parallel_loop3A_93 : i32
      %parallel_loop3A_95 = arith.constant 16 : i32
      %parallel_loop3A_96 = arith.muli %parallel_loop3A_83, %parallel_loop3A_95 : i32
      %parallel_loop3A_97 = arith.addi %mul3A_54, %parallel_loop3A_96 : i32
      %parallel_loop3A_98 = arith.constant 16 : i32
      %parallel_loop3A_99 = arith.addi %parallel_loop3A_97, %parallel_loop3A_98 : i32
      %parallel_loop3A_100 = arith.index_cast %parallel_loop3A_99 : i32 to index
      %parallel_loop3A_101 = tpu.vector_load %arg5[%parallel_loop3A_100] {strides = array<i32>} : memref<1552xf32, #tpu.memory_space<vmem>>, vector<16xf32>,
      %parallel_loop3A_102 = arith.constant 0 : i32
      %parallel_loop3A_103 = arith.cmpi sgt, %parallel_loop3A_94, %parallel_loop3A_102 : i32
      %parallel_loop3A_104 = arith.select %parallel_loop3A_103, %parallel_loop3A_86, %parallel_loop3A_87 : vector<16xf32>
      %parallel_loop3A_105 = arith.constant 15 : i32
      %parallel_loop3A_106 = arith.cmpi slt, %parallel_loop3A_94, %parallel_loop3A_105 : i32
      %parallel_loop3A_107 = arith.select %parallel_loop3A_106, %parallel_loop3A_101, %parallel_loop3A_87 : vector<16xf32>
      %parallel_loop3A_108 = arith.constant 0 : i32
      %parallel_loop3A_109 = arith.cmpi sgt, %parallel_loop3A_92, %parallel_loop3A_108 : i32
      %parallel_loop3A_110 = arith.constant 256 : i32
      %parallel_loop3A_111 = arith.subi %parallel_loop3A_97, %parallel_loop3A_110 : i32
      %parallel_loop3A_112 = arith.select %parallel_loop3A_109, %parallel_loop3A_111, %parallel_loop3A_97 : i32
      %parallel_loop3A_113 = arith.index_cast %parallel_loop3A_112 : i32 to index
      %parallel_loop3A_114 = tpu.vector_load %arg5[%parallel_loop3A_113] {strides = array<i32>} : memref<1552xf32, #tpu.memory_space<vmem>>, vector<16xf32>,
      %parallel_loop3A_115 = arith.constant 15 : i32
      %parallel_loop3A_116 = arith.cmpi slt, %parallel_loop3A_92, %parallel_loop3A_115 : i32
      %parallel_loop3A_117 = arith.constant 256 : i32
      %parallel_loop3A_118 = arith.addi %parallel_loop3A_97, %parallel_loop3A_117 : i32
      %parallel_loop3A_119 = arith.select %parallel_loop3A_116, %parallel_loop3A_118, %parallel_loop3A_97 : i32
      %parallel_loop3A_120 = arith.index_cast %parallel_loop3A_119 : i32 to index
      %parallel_loop3A_121 = tpu.vector_load %arg5[%parallel_loop3A_120] {strides = array<i32>} : memref<1552xf32, #tpu.memory_space<vmem>>, vector<16xf32>,
      %parallel_loop3A_122 = vector.broadcast %parallel_loop3A_97 : i32 to vector<16xi32>
      %parallel_loop3A_123 = arith.addi %parallel_loop3A_122, %max3A_29 : vector<16xi32>
      %parallel_loop3A_124 = tpu.vector_load_idx %arg5[%parallel_loop3A_123] : memref<1552xf32, #tpu.memory_space<vmem>>[vector<16xi32>], vector<16xf32>,
      %parallel_loop3A_125 = vector.broadcast %parallel_loop3A_97 : i32 to vector<16xi32>
      %parallel_loop3A_126 = arith.addi %parallel_loop3A_125, %min3A_35 : vector<16xi32>
      %parallel_loop3A_127 = tpu.vector_load_idx %arg5[%parallel_loop3A_126] : memref<1552xf32, #tpu.memory_space<vmem>>[vector<16xi32>], vector<16xf32>,
      %parallel_loop3A_128 = arith.constant 16 : i32
      %parallel_loop3A_129 = arith.muli %parallel_loop3A_83, %parallel_loop3A_128 : i32
      %parallel_loop3A_130 = arith.index_cast %parallel_loop3A_129 : i32 to index
      %parallel_loop3A_131 = tpu.vector_load %arg6[%parallel_loop3A_130] {strides = array<i32>} : memref<1024xf32, #tpu.memory_space<vmem>>, vector<16xf32>,
      %parallel_loop3A_132 = arith.mulf %parallel_loop3A_131, %parallel_loop3A_131 : vector<16xf32>
      %parallel_loop3A_133 = arith.constant 6.000000e+00 : f32
      %parallel_loop3A_134 = vector.broadcast %parallel_loop3A_133 : f32 to vector<16xf32>
      %parallel_loop3A_135 = arith.mulf %parallel_loop3A_134, %parallel_loop3A_87 : vector<16xf32>
      %parallel_loop3A_136 = arith.addf %parallel_loop3A_114, %parallel_loop3A_121 : vector<16xf32>
      %parallel_loop3A_137 = arith.addf %parallel_loop3A_104, %parallel_loop3A_107 : vector<16xf32>
      %parallel_loop3A_138 = arith.addf %parallel_loop3A_136, %parallel_loop3A_137 : vector<16xf32>
      %parallel_loop3A_139 = arith.addf %parallel_loop3A_124, %parallel_loop3A_127 : vector<16xf32>
      %parallel_loop3A_140 = arith.addf %parallel_loop3A_138, %parallel_loop3A_139 : vector<16xf32>
      %parallel_loop3A_141 = arith.subf %parallel_loop3A_135, %parallel_loop3A_140 : vector<16xf32>
      %parallel_loop3A_142 = math.absf %parallel_loop3A_141 : vector<16xf32>
      %parallel_loop3A_143 = arith.constant 1.000000e+00 : f32
      %parallel_loop3A_144 = vector.broadcast %parallel_loop3A_143 : f32 to vector<16xf32>
      %parallel_loop3A_145 = arith.subf %parallel_loop3A_144, %parallel_loop3A_132 : vector<16xf32>
      %parallel_loop3A_146 = arith.mulf %parallel_loop3A_142, %parallel_loop3A_145 : vector<16xf32>
      %parallel_loop3A_147 = arith.constant 0 : i32
      %parallel_loop3A_148 = arith.cmpi eq, %parallel_loop3A_92, %parallel_loop3A_147 : i32
      %parallel_loop3A_149 = arith.constant 15 : i32
      %parallel_loop3A_150 = arith.cmpi eq, %parallel_loop3A_92, %parallel_loop3A_149 : i32
      %parallel_loop3A_151 = arith.ori %parallel_loop3A_148, %parallel_loop3A_150 : i1
      %parallel_loop3A_152 = arith.constant 1.000000e+00 : f32
      %parallel_loop3A_153 = arith.constant 2.000000e+00 : f32
      %parallel_loop3A_154 = arith.select %parallel_loop3A_151, %parallel_loop3A_152, %parallel_loop3A_153 : f32
      %parallel_loop3A_155 = arith.constant 0 : i32
      %parallel_loop3A_156 = arith.cmpi eq, %parallel_loop3A_94, %parallel_loop3A_155 : i32
      %parallel_loop3A_157 = arith.constant 15 : i32
      %parallel_loop3A_158 = arith.cmpi eq, %parallel_loop3A_94, %parallel_loop3A_157 : i32
      %parallel_loop3A_159 = arith.ori %parallel_loop3A_156, %parallel_loop3A_158 : i1
      %parallel_loop3A_160 = arith.constant 1.000000e+00 : f32
      %parallel_loop3A_161 = arith.constant 2.000000e+00 : f32
      %parallel_loop3A_162 = arith.select %parallel_loop3A_159, %parallel_loop3A_160, %parallel_loop3A_161 : f32
      %parallel_loop3A_163 = arith.constant 17777.7773 : f32
      %parallel_loop3A_164 = vector.broadcast %parallel_loop3A_163 : f32 to vector<16xf32>
      %parallel_loop3A_165 = arith.mulf %parallel_loop3A_132, %parallel_loop3A_164 : vector<16xf32>
      %parallel_loop3A_166 = arith.addf %parallel_loop3A_154, %parallel_loop3A_162 : f32
      %parallel_loop3A_167 = vector.broadcast %parallel_loop3A_166 : f32 to vector<16xf32>
      %parallel_loop3A_168 = arith.addf %parallel_loop3A_167, %select_n3A : vector<16xf32>
      %parallel_loop3A_169 = arith.addf %parallel_loop3A_165, %parallel_loop3A_168 : vector<16xf32>
      %parallel_loop3A_170 = arith.maximumf %parallel_loop3A_85, %parallel_loop3A_169 : vector<16xf32>
      %parallel_loop3A_171 = arith.addf %parallel_loop3A_84, %parallel_loop3A_146 : vector<16xf32>
      scf.yield %parallel_loop3A_171, %parallel_loop3A_170, %parallel_loop3A_87, %parallel_loop3A_101 : vector<16xf32>, vector<16xf32>, vector<16xf32>, vector<16xf32>
    } {sc.loop_unroll_factor = 2 : i64, sc.parallel_access}
    %reduce_sum3A = arith.constant true
    %reduce_sum3A_59 = vector.broadcast %reduce_sum3A : i1 to vector<16xi1>
    %reduce_sum3A_60 = tpu.scan <sum>, %parallel_loop3A_58#0 masked %reduce_sum3A_59 : vector<16xf32>, vector<16xi1> -> vector<16xf32>
    %reduce_sum3A_61 = vector.extract %reduce_sum3A_60[15] : f32 from vector<16xf32>
    %reduce_max3A = arith.constant true
    %reduce_max3A_62 = vector.broadcast %reduce_max3A : i1 to vector<16xi1>
    %reduce_max3A_63 = tpu.scan <max>, %parallel_loop3A_58#1 masked %reduce_max3A_62 : vector<16xf32>, vector<16xi1> -> vector<16xf32>
    %reduce_max3A_64 = vector.extract %reduce_max3A_63[15] : f32 from vector<16xf32>
    %eq3A_65 = arith.constant 0 : i32
    %eq3A_66 = vector.broadcast %eq3A_65 : i32 to vector<16xi32>
    %eq3A_67 = arith.cmpi eq, %iota3A, %eq3A_66 : vector<16xi32>
    %eq3A_68 = arith.constant 1 : i32
    %eq3A_69 = vector.broadcast %eq3A_68 : i32 to vector<16xi32>
    %eq3A_70 = arith.cmpi eq, %iota3A, %eq3A_69 : vector<16xi32>
    %jit3A_71 = arith.constant 0.000000e+00 : f32
    %broadcast_in_dim3A_72 = vector.broadcast %reduce_max3A_64 : f32 to vector<16xf32>
    %broadcast_in_dim3A_73 = vector.broadcast %jit3A_71 : f32 to vector<16xf32>
    %select_n3A_74 = arith.select %eq3A_70, %broadcast_in_dim3A_72, %broadcast_in_dim3A_73 : vector<16xi1>, vector<16xf32>
    %broadcast_in_dim3A_75 = vector.broadcast %reduce_sum3A_61 : f32 to vector<16xf32>
    %select_n3A_76 = arith.select %eq3A_67, %broadcast_in_dim3A_75, %select_n3A_74 : vector<16xi1>, vector<16xf32>
    %swap3A = arith.constant 0 : index
    %swap3A_77 = tpu.vector_load %arg7[%swap3A] {strides = array<i32>} : memref<16xf32, #tpu.memory_space<vmem>>, vector<16xf32>,
    tpu.vector_store %arg7[%swap3A], %select_n3A_76 {strides = array<i32>} : memref<16xf32, #tpu.memory_space<vmem>>, vector<16xf32>,
    %mul3A_78 = arith.constant 16 : i32
    %mul3A_79 = arith.muli %arg1, %mul3A_78 : i32
    "tpu.region"() ({
      %run_scoped3A = tpu.sem_alloc : memref<!tpu.dma_semaphore, #tpu.memory_space<semaphore_mem>>
      %dma_start3A_83 = tpu.memref_slice %arg9[%mul3A_79] : memref<256xf32, #tpu.memory_space<vmem_shared>> -> memref<16xf32, #tpu.memory_space<vmem_shared>>
      %dma_start3A_84 = tpu.memref_slice %arg9[%mul3A_79] : memref<256xf32, #tpu.memory_space<vmem_shared>> -> memref<16xf32, #tpu.memory_space<vmem_shared>>
      tpu.enqueue_dma source(%arg7 : memref<16xf32, #tpu.memory_space<vmem>>) target(%dma_start3A_84 : memref<16xf32, #tpu.memory_space<vmem_shared>>) target_semaphore(%run_scoped3A : memref<!tpu.dma_semaphore, #tpu.memory_space<semaphore_mem>>)
      %dma_wait3A_85 = tpu.memref_slice %arg9[%mul3A_79] : memref<256xf32, #tpu.memory_space<vmem_shared>> -> memref<16xf32, #tpu.memory_space<vmem_shared>>
      %dma_wait3A_86 = tpu.memref_slice %arg9[%mul3A_79] : memref<256xf32, #tpu.memory_space<vmem_shared>> -> memref<16xf32, #tpu.memory_space<vmem_shared>>
      tpu.wait_dma2 semaphore(%run_scoped3A : memref<!tpu.dma_semaphore, #tpu.memory_space<semaphore_mem>>) src(%arg7 : memref<16xf32, #tpu.memory_space<vmem>>) dst(%dma_wait3A_86 : memref<16xf32, #tpu.memory_space<vmem_shared>>)
      tpu.yield
    }) : () -> ()
    %barrier3A = arith.constant 0 : index
    tpu.barrier barrier_id(%barrier3A)
    %eq3A_80 = arith.constant 0 : i32
    %eq3A_81 = arith.cmpi eq, %arg1, %eq3A_80 : i32
    %convert_element_type3A = arith.extui %eq3A_81 : i1 to i32
    %cond3A = arith.constant 0 : i32
    %cond3A_82 = arith.cmpi ne, %convert_element_type3A, %cond3A : i32
    scf.if %cond3A_82 {
      "tpu.region"() ({
        %run_scoped3A = tpu.sem_alloc : memref<!tpu.dma_semaphore, #tpu.memory_space<semaphore_mem>>
        tpu.enqueue_dma source(%arg9 : memref<256xf32, #tpu.memory_space<vmem_shared>>) target(%arg8 : memref<256xf32, #tpu.memory_space<vmem>>) target_semaphore(%run_scoped3A : memref<!tpu.dma_semaphore, #tpu.memory_space<semaphore_mem>>)
        tpu.wait_dma2 semaphore(%run_scoped3A : memref<!tpu.dma_semaphore, #tpu.memory_space<semaphore_mem>>) src(%arg9 : memref<256xf32, #tpu.memory_space<vmem_shared>>) dst(%arg8 : memref<256xf32, #tpu.memory_space<vmem>>)
        tpu.yield
      }) : () -> ()
      %mul3A_83 = arith.constant 16 : i32
      %mul3A_84 = vector.broadcast %mul3A_83 : i32 to vector<16xi32>
      %mul3A_85 = arith.muli %iota3A, %mul3A_84 : vector<16xi32>
      %gather3A = tpu.vector_load_idx %arg8[%mul3A_85] : memref<256xf32, #tpu.memory_space<vmem>>[vector<16xi32>], vector<16xf32>,
      %mul3A_86 = arith.constant 16 : i32
      %mul3A_87 = vector.broadcast %mul3A_86 : i32 to vector<16xi32>
      %mul3A_88 = arith.muli %iota3A, %mul3A_87 : vector<16xi32>
      %add3A_89 = arith.constant 1 : i32
      %add3A_90 = vector.broadcast %add3A_89 : i32 to vector<16xi32>
      %add3A_91 = arith.addi %mul3A_88, %add3A_90 : vector<16xi32>
      %gather3A_92 = tpu.vector_load_idx %arg8[%add3A_91] : memref<256xf32, #tpu.memory_space<vmem>>[vector<16xi32>], vector<16xf32>,
      %broadcast_in_dim3A_93 = arith.constant 0.000000e+00 : f32
      %broadcast_in_dim3A_94 = vector.broadcast %broadcast_in_dim3A_93 : f32 to vector<16xf32>
      %broadcast_in_dim3A_95 = arith.constant 1.000000e+00 : f32
      %broadcast_in_dim3A_96 = vector.broadcast %broadcast_in_dim3A_95 : f32 to vector<16xf32>
      %ge3A = arith.constant 0 : i32
      %ge3A_97 = vector.broadcast %ge3A : i32 to vector<16xi32>
      %ge3A_98 = arith.cmpi sge, %iota3A, %ge3A_97 : vector<16xi32>
      %lt3A = arith.constant 4 : i32
      %lt3A_99 = vector.broadcast %lt3A : i32 to vector<16xi32>
      %lt3A_100 = arith.cmpi slt, %iota3A, %lt3A_99 : vector<16xi32>
      %and3A_101 = arith.andi %ge3A_98, %lt3A_100 : vector<16xi1>
      %jit3A_102 = arith.constant 0.000000e+00 : f32
      %broadcast_in_dim3A_103 = vector.broadcast %jit3A_102 : f32 to vector<16xf32>
      %select_n3A_104 = arith.select %and3A_101, %gather3A, %broadcast_in_dim3A_103 : vector<16xi1>, vector<16xf32>
      %reduce_sum3A_105 = arith.constant true
      %reduce_sum3A_106 = vector.broadcast %reduce_sum3A_105 : i1 to vector<16xi1>
      %reduce_sum3A_107 = tpu.scan <sum>, %select_n3A_104 masked %reduce_sum3A_106 : vector<16xf32>, vector<16xi1> -> vector<16xf32>
      %reduce_sum3A_108 = vector.extract %reduce_sum3A_107[15] : f32 from vector<16xf32>
      %jit3A_109 = arith.constant 0.000000e+00 : f32
      %broadcast_in_dim3A_110 = vector.broadcast %jit3A_109 : f32 to vector<16xf32>
      %select_n3A_111 = arith.select %and3A_101, %gather3A_92, %broadcast_in_dim3A_110 : vector<16xi1>, vector<16xf32>
      %reduce_max3A_112 = arith.constant true
      %reduce_max3A_113 = vector.broadcast %reduce_max3A_112 : i1 to vector<16xi1>
      %reduce_max3A_114 = tpu.scan <max>, %select_n3A_111 masked %reduce_max3A_113 : vector<16xf32>, vector<16xi1> -> vector<16xf32>
      %reduce_max3A_115 = vector.extract %reduce_max3A_114[15] : f32 from vector<16xf32>
      %eq3A_116 = arith.constant 0 : i32
      %eq3A_117 = vector.broadcast %eq3A_116 : i32 to vector<16xi32>
      %eq3A_118 = arith.cmpi eq, %iota3A, %eq3A_117 : vector<16xi32>
      %broadcast_in_dim3A_119 = vector.broadcast %reduce_sum3A_108 : f32 to vector<16xf32>
      %select_n3A_120 = arith.select %eq3A_118, %broadcast_in_dim3A_119, %broadcast_in_dim3A_94 : vector<16xi1>, vector<16xf32>
      %eq3A_121 = arith.constant 0 : i32
      %eq3A_122 = vector.broadcast %eq3A_121 : i32 to vector<16xi32>
      %eq3A_123 = arith.cmpi eq, %iota3A, %eq3A_122 : vector<16xi32>
      %broadcast_in_dim3A_124 = vector.broadcast %reduce_max3A_115 : f32 to vector<16xf32>
      %select_n3A_125 = arith.select %eq3A_123, %broadcast_in_dim3A_124, %broadcast_in_dim3A_96 : vector<16xi1>, vector<16xf32>
      %ge3A_126 = arith.constant 4 : i32
      %ge3A_127 = vector.broadcast %ge3A_126 : i32 to vector<16xi32>
      %ge3A_128 = arith.cmpi sge, %iota3A, %ge3A_127 : vector<16xi32>
      %lt3A_129 = arith.constant 8 : i32
      %lt3A_130 = vector.broadcast %lt3A_129 : i32 to vector<16xi32>
      %lt3A_131 = arith.cmpi slt, %iota3A, %lt3A_130 : vector<16xi32>
      %and3A_132 = arith.andi %ge3A_128, %lt3A_131 : vector<16xi1>
      %jit3A_133 = arith.constant 0.000000e+00 : f32
      %broadcast_in_dim3A_134 = vector.broadcast %jit3A_133 : f32 to vector<16xf32>
      %select_n3A_135 = arith.select %and3A_132, %gather3A, %broadcast_in_dim3A_134 : vector<16xi1>, vector<16xf32>
      %reduce_sum3A_136 = arith.constant true
      %reduce_sum3A_137 = vector.broadcast %reduce_sum3A_136 : i1 to vector<16xi1>
      %reduce_sum3A_138 = tpu.scan <sum>, %select_n3A_135 masked %reduce_sum3A_137 : vector<16xf32>, vector<16xi1> -> vector<16xf32>
      %reduce_sum3A_139 = vector.extract %reduce_sum3A_138[15] : f32 from vector<16xf32>
      %jit3A_140 = arith.constant 0.000000e+00 : f32
      %broadcast_in_dim3A_141 = vector.broadcast %jit3A_140 : f32 to vector<16xf32>
      %select_n3A_142 = arith.select %and3A_132, %gather3A_92, %broadcast_in_dim3A_141 : vector<16xi1>, vector<16xf32>
      %reduce_max3A_143 = arith.constant true
      %reduce_max3A_144 = vector.broadcast %reduce_max3A_143 : i1 to vector<16xi1>
      %reduce_max3A_145 = tpu.scan <max>, %select_n3A_142 masked %reduce_max3A_144 : vector<16xf32>, vector<16xi1> -> vector<16xf32>
      %reduce_max3A_146 = vector.extract %reduce_max3A_145[15] : f32 from vector<16xf32>
      %eq3A_147 = arith.constant 1 : i32
      %eq3A_148 = vector.broadcast %eq3A_147 : i32 to vector<16xi32>
      %eq3A_149 = arith.cmpi eq, %iota3A, %eq3A_148 : vector<16xi32>
      %broadcast_in_dim3A_150 = vector.broadcast %reduce_sum3A_139 : f32 to vector<16xf32>
      %select_n3A_151 = arith.select %eq3A_149, %broadcast_in_dim3A_150, %select_n3A_120 : vector<16xi1>, vector<16xf32>
      %eq3A_152 = arith.constant 1 : i32
      %eq3A_153 = vector.broadcast %eq3A_152 : i32 to vector<16xi32>
      %eq3A_154 = arith.cmpi eq, %iota3A, %eq3A_153 : vector<16xi32>
      %broadcast_in_dim3A_155 = vector.broadcast %reduce_max3A_146 : f32 to vector<16xf32>
      %select_n3A_156 = arith.select %eq3A_154, %broadcast_in_dim3A_155, %select_n3A_125 : vector<16xi1>, vector<16xf32>
      %ge3A_157 = arith.constant 8 : i32
      %ge3A_158 = vector.broadcast %ge3A_157 : i32 to vector<16xi32>
      %ge3A_159 = arith.cmpi sge, %iota3A, %ge3A_158 : vector<16xi32>
      %lt3A_160 = arith.constant 12 : i32
      %lt3A_161 = vector.broadcast %lt3A_160 : i32 to vector<16xi32>
      %lt3A_162 = arith.cmpi slt, %iota3A, %lt3A_161 : vector<16xi32>
      %and3A_163 = arith.andi %ge3A_159, %lt3A_162 : vector<16xi1>
      %jit3A_164 = arith.constant 0.000000e+00 : f32
      %broadcast_in_dim3A_165 = vector.broadcast %jit3A_164 : f32 to vector<16xf32>
      %select_n3A_166 = arith.select %and3A_163, %gather3A, %broadcast_in_dim3A_165 : vector<16xi1>, vector<16xf32>
      %reduce_sum3A_167 = arith.constant true
      %reduce_sum3A_168 = vector.broadcast %reduce_sum3A_167 : i1 to vector<16xi1>
      %reduce_sum3A_169 = tpu.scan <sum>, %select_n3A_166 masked %reduce_sum3A_168 : vector<16xf32>, vector<16xi1> -> vector<16xf32>
      %reduce_sum3A_170 = vector.extract %reduce_sum3A_169[15] : f32 from vector<16xf32>
      %jit3A_171 = arith.constant 0.000000e+00 : f32
      %broadcast_in_dim3A_172 = vector.broadcast %jit3A_171 : f32 to vector<16xf32>
      %select_n3A_173 = arith.select %and3A_163, %gather3A_92, %broadcast_in_dim3A_172 : vector<16xi1>, vector<16xf32>
      %reduce_max3A_174 = arith.constant true
      %reduce_max3A_175 = vector.broadcast %reduce_max3A_174 : i1 to vector<16xi1>
      %reduce_max3A_176 = tpu.scan <max>, %select_n3A_173 masked %reduce_max3A_175 : vector<16xf32>, vector<16xi1> -> vector<16xf32>
      %reduce_max3A_177 = vector.extract %reduce_max3A_176[15] : f32 from vector<16xf32>
      %eq3A_178 = arith.constant 2 : i32
      %eq3A_179 = vector.broadcast %eq3A_178 : i32 to vector<16xi32>
      %eq3A_180 = arith.cmpi eq, %iota3A, %eq3A_179 : vector<16xi32>
      %broadcast_in_dim3A_181 = vector.broadcast %reduce_sum3A_170 : f32 to vector<16xf32>
      %select_n3A_182 = arith.select %eq3A_180, %broadcast_in_dim3A_181, %select_n3A_151 : vector<16xi1>, vector<16xf32>
      %eq3A_183 = arith.constant 2 : i32
      %eq3A_184 = vector.broadcast %eq3A_183 : i32 to vector<16xi32>
      %eq3A_185 = arith.cmpi eq, %iota3A, %eq3A_184 : vector<16xi32>
      %broadcast_in_dim3A_186 = vector.broadcast %reduce_max3A_177 : f32 to vector<16xf32>
      %select_n3A_187 = arith.select %eq3A_185, %broadcast_in_dim3A_186, %select_n3A_156 : vector<16xi1>, vector<16xf32>
      %ge3A_188 = arith.constant 12 : i32
      %ge3A_189 = vector.broadcast %ge3A_188 : i32 to vector<16xi32>
      %ge3A_190 = arith.cmpi sge, %iota3A, %ge3A_189 : vector<16xi32>
      %lt3A_191 = arith.constant 16 : i32
      %lt3A_192 = vector.broadcast %lt3A_191 : i32 to vector<16xi32>
      %lt3A_193 = arith.cmpi slt, %iota3A, %lt3A_192 : vector<16xi32>
      %and3A_194 = arith.andi %ge3A_190, %lt3A_193 : vector<16xi1>
      %jit3A_195 = arith.constant 0.000000e+00 : f32
      %broadcast_in_dim3A_196 = vector.broadcast %jit3A_195 : f32 to vector<16xf32>
      %select_n3A_197 = arith.select %and3A_194, %gather3A, %broadcast_in_dim3A_196 : vector<16xi1>, vector<16xf32>
      %reduce_sum3A_198 = arith.constant true
      %reduce_sum3A_199 = vector.broadcast %reduce_sum3A_198 : i1 to vector<16xi1>
      %reduce_sum3A_200 = tpu.scan <sum>, %select_n3A_197 masked %reduce_sum3A_199 : vector<16xf32>, vector<16xi1> -> vector<16xf32>
      %reduce_sum3A_201 = vector.extract %reduce_sum3A_200[15] : f32 from vector<16xf32>
      %jit3A_202 = arith.constant 0.000000e+00 : f32
      %broadcast_in_dim3A_203 = vector.broadcast %jit3A_202 : f32 to vector<16xf32>
      %select_n3A_204 = arith.select %and3A_194, %gather3A_92, %broadcast_in_dim3A_203 : vector<16xi1>, vector<16xf32>
      %reduce_max3A_205 = arith.constant true
      %reduce_max3A_206 = vector.broadcast %reduce_max3A_205 : i1 to vector<16xi1>
      %reduce_max3A_207 = tpu.scan <max>, %select_n3A_204 masked %reduce_max3A_206 : vector<16xf32>, vector<16xi1> -> vector<16xf32>
      %reduce_max3A_208 = vector.extract %reduce_max3A_207[15] : f32 from vector<16xf32>
      %eq3A_209 = arith.constant 3 : i32
      %eq3A_210 = vector.broadcast %eq3A_209 : i32 to vector<16xi32>
      %eq3A_211 = arith.cmpi eq, %iota3A, %eq3A_210 : vector<16xi32>
      %broadcast_in_dim3A_212 = vector.broadcast %reduce_sum3A_201 : f32 to vector<16xf32>
      %select_n3A_213 = arith.select %eq3A_211, %broadcast_in_dim3A_212, %select_n3A_182 : vector<16xi1>, vector<16xf32>
      %eq3A_214 = arith.constant 3 : i32
      %eq3A_215 = vector.broadcast %eq3A_214 : i32 to vector<16xi32>
      %eq3A_216 = arith.cmpi eq, %iota3A, %eq3A_215 : vector<16xi32>
      %broadcast_in_dim3A_217 = vector.broadcast %reduce_max3A_208 : f32 to vector<16xf32>
      %select_n3A_218 = arith.select %eq3A_216, %broadcast_in_dim3A_217, %select_n3A_187 : vector<16xi1>, vector<16xf32>
      %div3A = arith.divf %select_n3A_213, %select_n3A_218 : vector<16xf32>
      %reduce_sum3A_219 = arith.constant true
      %reduce_sum3A_220 = vector.broadcast %reduce_sum3A_219 : i1 to vector<16xi1>
      %reduce_sum3A_221 = tpu.scan <sum>, %div3A masked %reduce_sum3A_220 : vector<16xf32>, vector<16xi1> -> vector<16xf32>
      %reduce_sum3A_222 = vector.extract %reduce_sum3A_221[15] : f32 from vector<16xf32>
      %mul3A_223 = arith.constant 6.10351563E-5 : f32
      %mul3A_224 = arith.mulf %reduce_sum3A_222, %mul3A_223 : f32
      %broadcast_in_dim3A_225 = vector.broadcast %mul3A_224 : f32 to vector<16xf32>
      %swap3A_226 = arith.constant 0 : index
      %swap3A_227 = tpu.vector_load %arg7[%swap3A_226] {strides = array<i32>} : memref<16xf32, #tpu.memory_space<vmem>>, vector<16xf32>,
      tpu.vector_store %arg7[%swap3A_226], %broadcast_in_dim3A_225 {strides = array<i32>} : memref<16xf32, #tpu.memory_space<vmem>>, vector<16xf32>,
      "tpu.region"() ({
        %run_scoped3A = tpu.sem_alloc : memref<!tpu.dma_semaphore, #tpu.memory_space<semaphore_mem>>
        tpu.enqueue_dma source(%arg7 : memref<16xf32, #tpu.memory_space<vmem>>) target(%arg4 : memref<16xf32, #tpu.memory_space<hbm>>) target_semaphore(%run_scoped3A : memref<!tpu.dma_semaphore, #tpu.memory_space<semaphore_mem>>)
        tpu.wait_dma2 semaphore(%run_scoped3A : memref<!tpu.dma_semaphore, #tpu.memory_space<semaphore_mem>>) src(%arg7 : memref<16xf32, #tpu.memory_space<vmem>>) dst(%arg4 : memref<16xf32, #tpu.memory_space<hbm>>)
        tpu.yield
      }) : () -> ()
    } else {
    }
    return
  }
}

</mosaic_0001>

<sc_bundles>
// kernel: _run.3.cloned.1.call-start
scs
__scs_entry_jumppad:
0x0: {  	(pc) =	sbr.rel $0x88, $3  }
0x1: {  	(tag) =	ssettag $0x0;
	lr =	simm.s32 $0x1  }
0x2: {  	[smem:$0x3F9F] =	sst lr;
	_ =	strace $0xD0000000  }
0x3: {  	_ = 	snop  }
0x4: {  	_ = 	snop  }
0x5: {  	_ = 	snop  }
0x6: {  	_ = 	snop  }
0x7: {  	_ = 	snop  }
__scs_overlays_trampoline_lowered:
0x8: {  	[smem:$0x3FAE] =	sst s0  }
0x9: {  	[smem:$0x3FAF] =	sst s1  }
0xa: {  	[smem:$0x3FB0] =	sst s2  }
0xb: {  	[smem:$0x3FB1] =	sst s3  }
0xc: {  	[smem:$0x3FB2] =	sst s4  }
0xd: {  	[smem:$0x3FB3] =	sst s5  }
0xe: {  	[smem:$0x3FB4] =	sst s6  }
0xf: {  	[smem:$0x3FB5] =	sst s7  }
0x10: {  	[smem:$0x3FB6] =	sst s8  }
0x11: {  	[smem:$0x3FB7] =	sst s9;
	s0 =	simm.s32 @!p0 $0x0  }
0x12: {  	s1 =	sld [smem:$0x3F9D];
	s0 =	simm.s32 @p0 $0x1  }
0x13: {  	[smem:$0x3FB8] =	sst s0;
	s0 =	simm.s32 @!p1 $0x0  }
0x14: {  	s2 =	sld [smem:$0x3F9C];
	s0 =	simm.s32 @p1 $0x1  }
0x15: {  	[smem:$0x3FB9] =	sst s0;
	s0 =	simm.s32 @!p2 $0x0  }
0x16: {  	s3 =	sld [smem:$0x3FDB];
	s0 =	simm.s32 @p2 $0x1  }
0x17: {  	s4 =	simm.s32 $0x1BF5;
	[smem:$0x3FBB] =	sst s0  }
0x18: {  	s0 =	sld [smem:$0x3F9E];
	_ =	swait.ge [sflag:s4], $0x0  }
0x19: {  	s7 =	sld [smem:$0x3F9F]  }
0x1a: {  	s8 =	sadd.s32 $0xFFFFE003, lr  }
0x1b: {  	s9 =	sadd.s32 $0xFFFFFEF7, lr;
	s5 =	simm.s32 $0xFFFFFFFF;
	p2 =	slt.u32 s8, $0xFFFFF086  }
0x1c: {  	p1 =	slt.u32 s9, $0xF7A;
	s5 =	simm.s32 @!p2 $0x0  }
0x1d: {  	s5 =	simm.s32 @p1 $0x1;
	p0 =	seq.s32 s7, s2  }
0x1e: {  	s7 =	smul.u32 @!p0 $0xF7A, s2;
	p2 =	seq.s32 @!p0 s5, $0x0  }
0x1f: {  	s9 =	smul.u32 $0xF7A, s1;
	s8 =	simm.s32 @!p0 $0x1BF5;
	p2 =	por !p2, p0  }
0x20: {  	[sflag:s8] =	ssyncset.s32 @!p0 $0xFFFFF086;
	s6 =	sadd.s32 @!p0 s3, s7;
	s7 =	simm.s32 @!p0 $0x108  }
0x21: {  	s3 =	sadd.s32 s3, s9;
	s6 =	sadd.s32 @!p0 $0x88, s6;
	s7 =	simm.s32 @p2 $0x1082  }
0x22: {  	[simem:s7], [sflag:s8] =	dma.local @!p0 [hbm:s6], $0xF7A  }
0x23: {  	s9 =	sor.u32 $0xD0000000, s2;
	s6 =	simm.s32 $0x108;
	_ =	swait.ge @!p0 [sflag:s8], $0x0  }
0x24: {  	s3 =	sadd.s32 $0x88, s3;
	s6 =	simm.s32 @!p1 $0x1082;
	[sflag:s4] =	ssyncset.s32 $0xFFFFF086  }
0x25: {  	[simem:s6], [sflag:s4] =	dma.local [hbm:s3], $0xF7A  }
0x26: {  	[smem:$0x3F9F] =	sst s1;
	(tag) =	ssettag s2;
	_ =	strace s9  }
0x27: {  	s1 =	sld [smem:$0x3FAF]  }
0x28: {  	s2 =	sld [smem:$0x3FB0]  }
0x29: {  	s4 =	sld [smem:$0x3FB2]  }
0x2a: {  	p0 =	seq.s32 s5, $0x0;
	s5 =	sld [smem:$0x3FB3]  }
0x2b: {  	s6 =	sld [smem:$0x3FB4]  }
0x2c: {  	s7 =	sld [smem:$0x3FB5]  }
0x2d: {  	s3 =	simm.s32 $0x108;
	s8 =	sld [smem:$0x3FB6]  }
0x2e: {  	s3 =	simm.s32 @!p0 $0x1082;
	s9 =	sld [smem:$0x3FB7]  }
0x2f: {  	lr =	sadd.s32 s0, s3;
	s0 =	sld [smem:$0x3FAE]  }
0x30: {  	s3 =	sld [smem:$0x3FB1]  }
0x31: {  	[smem:$0x3FBA] =	sst s10  }
0x32: {  	s10 =	sld [smem:$0x3FB8];
	_ =	sdelay $0x3  }
0x33: {  	p0 =	seq.s32 s10, $0x1;
	s10 =	sld [smem:$0x3FBA];
	_ =	sdelay $0x3  }
0x34: {  	[smem:$0x3FBA] =	sst s10  }
0x35: {  	s10 =	sld [smem:$0x3FB9];
	_ =	sdelay $0x3  }
0x36: {  	p1 =	seq.s32 s10, $0x1;
	s10 =	sld [smem:$0x3FBA];
	_ =	sdelay $0x3  }
0x37: {  	[smem:$0x3FBA] =	sst s10  }
0x38: {  	s10 =	sld [smem:$0x3FBB]  }
0x39: {  	_ = 	snop;
	(pc) =	sbr.ind lr, $3  }
0x3a: {  	_ = 	snop  }
0x3b: {  	_ = 	snop  }
0x3c: {  	p2 =	seq.s32 s10, $0x1;
	s10 =	sld [smem:$0x3FBA]  }
0x3d: {  	_ =	shalt  }
0x3e: {  	_ =	shalt  }
0x3f: {  	_ =	shalt  }
0x40: {  	_ =	shalt  }
0x41: {  	_ =	shalt  }
0x42: {  	_ =	shalt  }
0x43: {  	_ =	shalt  }
0x44: {  	_ =	shalt  }
0x45: {  	_ =	shalt  }
0x46: {  	_ =	shalt  }
0x47: {  	_ =	shalt  }
0x48: {  	_ =	shalt  }
0x49: {  	_ =	shalt  }
0x4a: {  	_ =	shalt  }
0x4b: {  	_ =	shalt  }
0x4c: {  	_ =	shalt  }
0x4d: {  	_ =	shalt  }
0x4e: {  	_ =	shalt  }
0x4f: {  	_ =	shalt  }
0x50: {  	_ =	shalt  }
0x51: {  	_ =	shalt  }
0x52: {  	_ =	shalt  }
0x53: {  	_ =	shalt  }
0x54: {  	_ =	shalt  }
0x55: {  	_ =	shalt  }
0x56: {  	_ =	shalt  }
0x57: {  	_ =	shalt  }
0x58: {  	_ =	shalt  }
0x59: {  	_ =	shalt  }
0x5a: {  	_ =	shalt  }
0x5b: {  	_ =	shalt  }
0x5c: {  	_ =	shalt  }
0x5d: {  	_ =	shalt  }
0x5e: {  	_ =	shalt  }
0x5f: {  	_ =	shalt  }
0x60: {  	_ =	shalt  }
0x61: {  	_ =	shalt  }
0x62: {  	_ =	shalt  }
0x63: {  	_ =	shalt  }
0x64: {  	_ =	shalt  }
0x65: {  	_ =	shalt  }
0x66: {  	_ =	shalt  }
0x67: {  	_ =	shalt  }
0x68: {  	_ =	shalt  }
0x69: {  	_ =	shalt  }
0x6a: {  	_ =	shalt  }
0x6b: {  	_ =	shalt  }
0x6c: {  	_ =	shalt  }
0x6d: {  	_ =	shalt  }
0x6e: {  	_ =	shalt  }
0x6f: {  	_ =	shalt  }
0x70: {  	_ =	shalt  }
0x71: {  	_ =	shalt  }
0x72: {  	_ =	shalt  }
0x73: {  	_ =	shalt  }
0x74: {  	_ =	shalt  }
0x75: {  	_ =	shalt  }
0x76: {  	_ =	shalt  }
0x77: {  	_ =	shalt  }
0x78: {  	_ =	shalt  }
0x79: {  	_ =	shalt  }
0x7a: {  	_ =	shalt  }
0x7b: {  	_ =	shalt  }
0x7c: {  	_ =	shalt  }
0x7d: {  	_ =	shalt  }
0x7e: {  	_ =	shalt  }
0x7f: {  	_ =	shalt  }
0x80: {  	_ =	shalt  }
0x81: {  	_ =	shalt  }
0x82: {  	_ =	shalt  }
0x83: {  	_ =	shalt  }
0x84: {  	_ =	shalt  }
0x85: {  	_ =	shalt  }
0x86: {  	_ =	shalt  }
0x87: {  	_ =	shalt  }
.Lfunc_end0:
.L_simem_size_0:
called_computation_lowered:
.L_overlay_start_0:
0x88: {  	s0 =	sld [smem:$0x3FD9]  }
0x89: {  	s1 =	sld [smem:$0x3FFE];
	_ =	sdelay $0x3  }
0x8a: {  	s0 =	sadd.s32 s1, s0  }
0x8b: {  	[smem:$0x3FC6] =	sst s0  }
0x8c: {  	_ = 	snop  }
0x8d: {  	s0 =	sld [smem:$0x3FC9]  }
0x8e: {  	s17 =	sld [smem:$0x3FC8]  }
0x8f: {  	s2 =	sld [smem:$0x3FD0];
	(tm) =	ssettm $0x1  }
0x90: {  	s3 =	sld [smem:$0x3FFB];
	_ =	sdelay $0x3  }
0x91: {  	_ =	strace s3  }
0x92: {  	s3 =	sld [smem:$0x3FFC];
	_ =	sdelay $0x3  }
0x93: {  	_ =	strace s3  }
0x94: {  	s3 =	sld [smem:$0x3FFD];
	_ =	sdelay $0x3  }
0x95: {  	_ =	strace s3  }
0x96: {  	_ =	strace $0x8FFFFFFF  }
0x97: {  	s18 =	sld [smem:$0x3FDB];
	_ =	sdelay $0x1  }
0x98: {  	s4 =	simm.s32 $_scs_section_size  }
0x99: {  	s5 =	simm.s32 $_size__tile_overlayer_lowered;
	s6 =	simm.s32 $_tile_overlayer_lowered  }
0x9a: {  	s21 =	simm.s32 $0x1BFF;
	s20 =	sshll.u32 s6, $0x1;
	s3 =	sadd.s32 s4, s18  }
0x9b: {  	s7 =	simm.s32 $0x0;
	s19 =	sshll.u32 s5, $0x1;
	s5 =	sadd.s32 s20, s3  }
0x9c: {  	[timem:s7], [sflag:s21] =	dma.local [hbm:s5], s19  }
0x9d: {  	_ =	swait.ge [sflag:s21], s19  }
0x9e: {  	s4 =	ssub.s32 $0x0, s19;
	[sflag:s21] =	ssyncset.done $0x0  }
0x9f: {  	[sflag:s21] =	ssyncadd.s32 s4;
	_ =	sdelay $0x1  }
0xa0: {  	s22 =	simm.s32 $0x1B8B  }
0xa1: {  	_ =	swait.ge [sflag:s22], $0x1  }
0xa2: {  	[sflag:s22] =	ssyncset.done $0x0  }
0xa3: {  	s23 =	simm.s32 $0x1B8E;
	[sflag:s22] =	ssyncadd.s32 $0xFFFFFFFF  }
0xa4: {  	s24 =	simm.s32 $execute0_lowered;
	[smem:$0x3FD2] =	sst s23  }
0xa5: {  	s4 =	sshll.u32 s24, $0x1;
	_ =	strace $0x80000046;
	[dreg:$0x1] =	wrdreg $0xFFFFFFFF  }
0xa6: {  	s25 =	simm.s32 $_size_execute0_lowered;
	s3 =	sadd.s32 s3, s4;
	[dreg:$0x0] =	wrdreg $0x0  }
0xa7: {  	s4 =	sshll.u32 s25, $0x1;
	[dreg:$0x2] =	wrdreg s3  }
0xa8: {  	[dreg:$0x3] =	wrdreg s4  }
0xa9: {  	[dreg:$0x4] =	wrdreg $0xC0  }
0xaa: {  	_ =	task [dreg:s7], $0x5FFFF  }
0xab: {  	[dreg:$0x1] =	wrdreg $0xFFFFFFFF  }
0xac: {  	[dreg:$0x0] =	wrdreg $0x60  }
0xad: {  	[dreg:$0x2] =	wrdreg s0  }
0xae: {  	[dreg:$0x3] =	wrdreg s17  }
0xaf: {  	[dreg:$0x4] =	wrdreg s2  }
0xb0: {  	[dreg:$0x5] =	wrdreg $0xC000  }
0xb1: {  	[dreg:$0x6] =	wrdreg $0x9  }
0xb2: {  	_ =	task.clear_ibuf [dreg:s7], $0x7FFFF;
	_ =	strace $0x90000046  }
0xb3: {  	s26 =	simm.s32 $0x9;
	_ =	strace $0x80000048  }
0xb4: {  	_ =	swait.ge [sflag:s26], $0x1  }
0xb5: {  	[sflag:s26] =	ssyncadd.s32 $0xFFFFFFFF  }
0xb6: {  	_ =	strace $0x90000048  }
0xb7: {  	_ =	sfence  }
0xb8: {  	s28 =	sld [smem:$0x0];
	_ =	sdelay $0x1  }
0xb9: {  	s29 =	srdreg.scid  }
0xba: {  	s30 =	sshll.u32 s29, $0xD;
	s31 =	sshrl.u32 s29, $0x2  }
0xbb: {  	s1 =	sand.u32 $0x1, s29;
	s2 =	sand.u32 $0x4000, s30;
	s0 =	sadd.s32 s31, s28  }
0xbc: {  	s1 =	sor.u32 s2, s1;
	s0 =	sshll.u32 s0, $0x11  }
0xbd: {  	s0 =	sor.u32 s0, s1  }
0xbe: {  	s0 =	sadd.s32 $0x8F2B, s0  }
0xbf: {  	[sflag:s0] =	ssyncadd.remote.s32 $0x1  }
0xc0: {  	_ =	sfence.sel $0xFFFF  }
0xc1: {  	[dreg:$0x0] =	wrdreg $0xFFFFFFFF;
	(pc) =	sbr.abs _section_cstart, $3  }
0xc2: {  	[dreg:$0x1] =	wrdreg $0xFFFFFFFF  }
0xc3: {  	_ =	task.clear_ibuf [dreg:s7], $0x2FFFF;
	_ =	strace $0x9FFFFFFF  }
0xc4: {  	(tm) =	ssettm $0x7FFFFFFF  }
0xc5: {  	_ =	shalt  }
tec
execute0_lowered:
.L_overlay_start_1:
0x0: {  	(tag) =	ssettag $0x1  }
0x1: {  	s3 =	stileid.u32;
	s7 =	rddreg [dreg:$0x0]  }
0x2: {  	s8 =	rddreg [dreg:$0x1];
	s6 =	sand.u32 $0x3, s3  }
0x3: {  	s1 =	rddreg [dreg:$0x2];
	s4 =	sshll.u32 s6, $0x2  }
0x4: {  	s2 =	rddreg [dreg:$0x3];
	s31 =	simm.s32 $0x680;
	s0 =	smax.u32 s4, $0x1  }
0x5: {  	s18 =	simm.s32 $0x0;
	s5 =	sshll.u32 s3, $0xA;
	s9 =	smin.u32 s0, $0xB  }
0x6: {  	s11 =	sand.u32 $0x3000, s5;
	s5 =	simm.s32 $0x0;
	s10 =	sadd.s32 $0xFFFFFFFF, s9  }
0x7: {  	s13 =	sshll.u32 s6, $0xA;
	s6 =	sshll.u32 s6, $0xC;
	s12 =	sshll.u32 s10, $0x8  }
0x8: {  	[smem:$0x7FF] =	sst s5;
	s20 =	sor.u32 s4, s18;
	s12 =	sadd.s32 s11, s12  }
0x9: {  	s0 =	rddreg [dreg:$0x4];
	s11 =	sor.u32 s13, s11;
	s12 =	sshrl.u32 s12, $0x3  }
0xa: {  	_ =	strace $0x80000047;
	s11 =	sshrl.u32 s11, $0x3;
	s7 =	sadd.s32 s7, s12  }
0xb: {  	[tilespmem:s5], [sflag:$0x1] =	stream.linear.gather [hbm4b:s7+s5], $0x600, $0x38;
	[tilespmem:$0xC10] =	vst v63  }
0xc: {  	v0 =	vimm.s32 $0x65432100;
	v1 =	vimm.s32 $0xEDCBA987;
	p0 =	seq.s32 s20, $0x0;
	s30 =	sadd.s32 s8, s11;
	s8 =	simm.s32 $0x1  }
0xd: {  	v2 =	vimm.s32 $0xFFEDCBA9;
	[tilespmem:s31], [sflag:$0x2] =	stream.linear.gather [hbm4b:s30+s5], $0x400, $0x38;
	[tilespmem:$0xC10] =	vst v63  }
0xe: {  	v3 =	vimm.s32 $0x87654321;
	p1 =	slt.u32 s20, $0xF;
	s14 =	sshll.u32 s9, $0xA;
	_ =	swait.ge [sflag:s8], $0x600  }
0xf: {  	v1 =	vunpack.c.l.s4.s8 v1;
	v2 =	vunpack.c.l.s4.s8 v2;
	v3 =	vunpack.c.l.s4.s8 v3;
	s10 =	ssub.s32 s4, s10;
	s12 =	sshll.u32 s9, $0x8;
	[sflag:s8] =	ssyncset.done $0x0  }
0x10: {  	v0 =	vunpack.c.l.s4.s8 v0;
	s11 =	simm.s32 $0x2;
	[sflag:s8] =	ssyncadd.s32 $0xFFFFFA00;
	s8 =	ssub.s32 s13, s12  }
0x11: {  	v1 =	vunpack.c.0.s8.s32 v1;
	v2 =	vunpack.c.0.s8.s32 v2;
	v3 =	vunpack.c.0.s8.s32 v3;
	s6 =	ssub.s32 s6, s14;
	_ =	swait.ge [sflag:s11], $0x400;
	[dreg:$0x5] =	wrdreg s8  }
0x12: {  	v0 =	vunpack.c.0.s8.s32 v0;
	s16 =	sshll.u32 s10, $0x8;
	s15 =	rddreg [dreg:$0x5];
	[sflag:s11] =	ssyncset.done $0x0  }
0x13: {  	v1 =	vand.u32 $0xF, v1;
	v2 =	vcombine.low v3, v2;
	s6 =	sadd.s32 $0x480, s6;
	[sflag:s11] =	ssyncadd.s32 $0xFFFFFC00;
	s9 =	sadd.s32 $0x0, s15  }
0x14: {  	v0 =	vcombine.low v0, v1;
	s17 =	sshra.s32 s6, $0x2;
	v7 =	vld [tilespmem:s16+$0x0];
	s6 =	sadd.s32 $0x110, s9;
	s12 =	sadd.s32 $0x10, s9  }
0x15: {  	v2 =	vand.u32 $0xF, v2;
	s11 =	sadd.s32 $0x100, s9;
	v3 =	vld [tilespmem:s17+$0x0];
	s13 =	sadd.s32 $0x210, s9;
	s12 =	smov.u32 @p0 s6  }
0x16: {  	s22 =	sand.u32 $0x60, s5;
	v1 =	vor.u32 s6, v0;
	v6 =	vor.u32 s6, v2;
	v5 =	vor.u32 s11, v0;
	s6 =	smov.u32 @p1 s13;
	v8 =	vld [tilespmem:s12+$0x0]  }
0x17: {  	v10 =	vor.u32 s11, v2;
	s21 =	sand.u32 $0xFFFFFF80, s11;
	s12 =	sadd.s32 $0x200, s9;
	s9 =	smov.u32 @p0 s11;
	v11 =	vld [tilespmem:s6+$0x0]  }
0x18: {  	s19 =	simm.s32 $0x690;
	s23 =	sor.u32 s22, s21;
	v12 =	vld [tilespmem:s9+$0x0]  }
0x19: {  	s24 =	simm.s32 $0x20;
	s28 =	simm.s32 $0x1;
	s11 =	smov.u32 @p1 s12;
	v4 =	vld [tilespmem:s23+$0x10]  }
0x1a: {  	p3 =	seq.s32 s20, $0xF;
	s25 =	sadd.s32 $0x20, s17;
	s7 =	simm.s32 $0x6B0;
	v13 =	vld [tilespmem:s11+$0x0]  }
0x1b: {  	s8 =	simm.f32 $1.000000000e+00;
	s26 =	rddreg [dreg:$0x5];
	s15 =	simm.s32 $0x0;
	v14 =	vld.idx.msk [tilespmem:v5+s5+$0x0], $0xffff  }
0x1c: {  	s13 =	sadd.s32 $0x20, s26;
	s6 =	simm.s32 $0x0;
	p0 =	por p0, p0;
	v10 =	vld.idx.msk [tilespmem:v10+s5+$0x0], $0xffff  }
0x1d: {  	s10 =	sadd.s32 $0x100, s13;
	s16 =	sadd.s32 $0x10, s13;
	s14 =	sand.u32 $0xE, s6;
	v16 =	vld.idx.msk [tilespmem:v1+s5+$0x0], $0xffff  }
0x1e: {  	vm0 =	vcmask $0x3B04;
	s17 =	sadd.s32 $0x210, s13;
	s9 =	sand.u32 $0xF, s28;
	v22 =	vor.u32 s10, v0;
	p1 =	seq.s32 s14, $0x0;
	v1 =	vimm.f32 $1.000000000e+00;
	v17 =	vld.idx.msk [tilespmem:v6+s5+$0x0], $0xffff  }
0x1f: {  	v9 =	vld [tilespmem:s19+$0x0];
	s29 =	sand.u32 $0xFFFFFF80, s10;
	p2 =	seq.s32 s9, $0xF;
	s9 =	sor.u32 s4, s15;
	v5 =	vimm.f32 $0.0e+00;
	v6 =	vpsel p1, v7, v7;
	v1 =	vsel vm0, $0x40000000, v1  }
0x20: {  	s15 =	sadd.s32 $0x110, s13;
	s8 =	simm.s32 @!p1 $0x40000000;
	p1 =	seq.s32 s9, $0x0;
	v15 =	vadd.f32 v4, v6;
	v18 =	vpsel p2, v4, v3;
	v12 =	vadd.f32 v13, v12;
	v13 =	vld [tilespmem:s19+$0xFFFFFFF0]  }
0x21: {  	s14 =	simm.f32 $1.000000000e+00;
	v19 =	vadd.f32 v11, v8;
	v11 =	vor.u32 s15, v0;
	s16 =	smov.u32 @p1 s15;
	v6 =	vld [tilespmem:s7+$0x0];
	v18 =	vadd.f32 v18, v7;
	s19 =	simm.f32 $1.000000000e+00  }
0x22: {  	s14 =	simm.s32 @!p2 $0x40000000;
	p2 =	slt.u32 s9, $0xF;
	v8 =	vld [tilespmem:s16+$0x0];
	v24 =	vmul.f32 $6.000000000e+00, v4;
	s19 =	simm.s32 @!p3 $0x40000000;
	v12 =	vadd.f32 v12, v15;
	v20 =	vadd.f32 v10, v14  }
0x23: {  	s16 =	sadd.s32 $0x200, s13;
	s13 =	smov.u32 @p1 s10;
	v7 =	vmul.f32 $6.000000000e+00, v7;
	v10 =	vld [tilespmem:s25+$0x0];
	v19 =	vadd.f32 v19, v18;
	s19 =	simm.s32 @p0 $0x3F800000;
	v16 =	vadd.f32 v17, v16  }
0x24: {  	s18 =	smov.u32 s15;
	v15 =	vor.u32 s10, v2;
	v14 =	vmul.f32 v9, v9;
	v18 =	vld [tilespmem:s13+$0x0];
	s10 =	smov.u32 @p2 s16;
	s30 =	sadd.f32 s19, s14;
	v9 =	vadd.f32 v20, v12  }
0x25: {  	s11 =	sand.u32 $0x60, s24;
	s18 =	smov.u32 @p2 s17;
	v21 =	vld [tilespmem:s10+$0x0];
	v20 =	vor.u32 s15, v2;
	v26 =	vadd.f32 v16, v19;
	v17 =	vmul.f32 v13, v13  }
0x26: {  	s11 =	sor.u32 s11, s29;
	s31 =	sadd.f32 s19, s8;
	v12 =	vld [tilespmem:s18+$0x0];
	v13 =	vmul.f32 $1.777777730e+04, v14;
	v16 =	vadd.f32 s30, v1;
	v7 =	vsub.f32 v7, v9  }
0x27: {  	s12 =	sadd.s32 $0x20, s25;
	p0 =	por p1, p1;
	s8 =	simm.f32 $1.000000000e+00;
	v9 =	vld [tilespmem:s11+$0x10];
	v24 =	vsub.f32 v24, v26;
	v23 =	vsub.f32 $1.000000000e+00, v17;
	v19 =	vmul.f32 $1.777777730e+04, v17  }
0x28: {  	s10 =	simm.s32 $0x2;
	s14 =	simm.s32 $0x6B0;
	s11 =	simm.s32 $0x40;
	v17 =	vld.idx.msk [tilespmem:v22+s5+$0x0], $0xffff;
	v22 =	vadd.f32 s31, v1;
	v25 =	vand.u32 $0x7FFFFFFF, v7;
	v7 =	vimm.f32 $0.0e+00  }
.LBB2_1:
0x29: {  	s15 =	rddreg [dreg:$0x5]  }
0x2a: {  	s13 =	sadd.s32 $0x3, s6;
	s7 =	sadd.s32 $0x20, s7;
	s6 =	smov.u32 s10  }
0x2b: {  	s16 =	sand.u32 $0xE, s10;
	s10 =	sadd.s32 $0x2, s10;
	p3 =	seq.s32 s9, $0xF  }
0x2c: {  	s9 =	simm.f32 $1.000000000e+00;
	s20 =	sand.u32 $0x60, s11;
	s13 =	sand.u32 $0xF, s13  }
0x2d: {  	v15 =	vld.idx.msk [tilespmem:v15+s5+$0x0], $0xffff;
	v14 =	vsub.f32 $1.000000000e+00, v14;
	v29 =	vmul.f32 $6.000000000e+00, v3;
	s17 =	sshrl.u32 s10, $0x4;
	p1 =	seq.s32 s16, $0x0;
	s15 =	sadd.s32 s11, s15  }
0x2e: {  	v26 =	vld.idx.msk [tilespmem:v11+s5+$0x0], $0xffff;
	v23 =	vmul.f32 v25, v23;
	v11 =	vadd.f32 v19, v22;
	v19 =	vand.u32 $0x7FFFFFFF, v24;
	s16 =	simm.f32 $1.000000000e+00;
	p2 =	seq.s32 s13, $0xF;
	s26 =	sor.u32 s4, s17  }
0x2f: {  	v13 =	vadd.f32 v13, v16;
	v14 =	vmul.f32 v19, v14;
	v19 =	vpsel p1, v3, v4;
	s17 =	sadd.s32 $0x110, s15;
	s9 =	simm.s32 @!p1 $0x40000000;
	s18 =	sadd.s32 $0x10, s15  }
0x30: {  	s19 =	sadd.s32 $0x210, s15;
	s21 =	sadd.s32 $0x200, s15;
	v5 =	vadd.f32 v23, v5;
	v7 =	vmax.f32 v7, v11;
	p1 =	seq.s32 s26, $0x0;
	v16 =	vadd.f32 v21, v18;
	v18 =	vld.idx.msk [tilespmem:v20+s5+$0x0], $0xffff  }
0x31: {  	s16 =	simm.s32 @!p2 $0x40000000;
	v25 =	vmovc v10;
	v10 =	vpsel p2, v9, v10;
	v21 =	vld [tilespmem:s14+$0xFFFFFFF0];
	v19 =	vadd.f32 v9, v19;
	s14 =	sadd.s32 $0x100, s15;
	v12 =	vadd.f32 v12, v8;
	s18 =	smov.u32 @p1 s17  }
0x32: {  	v7 =	vmax.f32 v7, v13;
	p2 =	slt.u32 s26, $0xF;
	v5 =	vadd.f32 v14, v5;
	v13 =	vadd.f32 v10, v3;
	v8 =	vld [tilespmem:s18+$0x0];
	s18 =	smov.u32 s17;
	s15 =	smov.u32 @p1 s14  }
0x33: {  	v22 =	vld [tilespmem:s7+$0x0];
	v11 =	vor.u32 s17, v0;
	v17 =	vadd.f32 v15, v17;
	s28 =	sand.u32 $0xFFFFFF80, s14;
	v16 =	vadd.f32 v16, v19;
	s18 =	smov.u32 @p2 s19;
	s19 =	simm.f32 $1.000000000e+00  }
0x34: {  	v24 =	vor.u32 s14, v0;
	v10 =	vld [tilespmem:s12+$0x0];
	v15 =	vor.u32 s14, v2;
	s14 =	smov.u32 @p2 s21;
	p2 =	slt.u32 s10, $0x3E;
	s19 =	simm.s32 @!p3 $0x40000000;
	v23 =	vadd.f32 v12, v13  }
.Ltmp0:
0x35: {  	v14 =	vmul.f32 v6, v6;
	s30 =	sor.u32 s20, s28;
	v12 =	vld [tilespmem:s18+$0x0];
	v16 =	vadd.f32 v17, v16;
	s19 =	simm.s32 @p0 $0x3F800000;
	v17 =	vadd.f32 v18, v26;
	(pc) =	sbr.rel @p2 .LBB2_1-.Ltmp0, $4  }
0x36: {  	v4 =	vmovc v9;
	v20 =	vor.u32 s17, v2;
	v27 =	vmul.f32 $6.000000000e+00, v9;
	v9 =	vld [tilespmem:s30+$0x10];
	v19 =	vmul.f32 v21, v21;
	s29 =	sadd.f32 s19, s16  }
0x37: {  	v13 =	vmul.f32 $1.777777730e+04, v14;
	v18 =	vld [tilespmem:s15+$0x0];
	s31 =	sadd.f32 s19, s9;
	v26 =	vsub.f32 v29, v16;
	v28 =	vadd.f32 v17, v23  }
0x38: {  	s11 =	sadd.s32 $0x20, s11;
	s12 =	sadd.s32 $0x20, s12;
	v21 =	vld [tilespmem:s14+$0x0];
	v23 =	vsub.f32 $1.000000000e+00, v19;
	v19 =	vmul.f32 $1.777777730e+04, v19;
	v16 =	vadd.f32 s29, v1  }
0x39: {  	v3 =	vmovc v25;
	v6 =	vmovc v22;
	p0 =	por p1, p1;
	s14 =	smov.u32 s7;
	s9 =	smov.u32 s26;
	v17 =	vld.idx.msk [tilespmem:v24+s5+$0x0], $0xffff;
	v22 =	vadd.f32 s31, v1;
	v25 =	vand.u32 $0x7FFFFFFF, v26;
	v24 =	vsub.f32 v27, v28  }
0x3a: {  	_ =	sdelay $0x3  }
0x3b: {  	v0 =	vld.idx.msk [tilespmem:v15+s5+$0x0], $0xffff  }
0x3c: {  	s4 =	sadd.s32 $0x3, s6;
	s30 =	sand.u32 $0xE, s10;
	v2 =	vld.idx.msk [tilespmem:v11+s5+$0x0], $0xffff  }
0x3d: {  	v45 =	vld.idx.msk [tilespmem:v20+s5+$0x0], $0xffff;
	s4 =	sand.u32 $0xF, s4;
	p2 =	seq.s32 s30, $0x0  }
0x3e: {  	p1 =	seq.s32 s4, $0xF;
	v4 =	vpsel p2, v3, v4  }
0x3f: {  	v47 =	vld [tilespmem:s14+$0xFFFFFFF0];
	v46 =	vadd.f32 v21, v18;
	v10 =	vpsel p1, v9, v10;
	v4 =	vadd.f32 v9, v4  }
0x40: {  	v8 =	vadd.f32 v12, v8;
	v10 =	vadd.f32 v10, v3  }
0x41: {  	v4 =	vadd.f32 v46, v4;
	v0 =	vadd.f32 v0, v17  }
0x42: {  	v48 =	vmul.f32 v25, v23;
	v14 =	vsub.f32 $1.000000000e+00, v14;
	v2 =	vadd.f32 v45, v2  }
0x43: {  	v49 =	vmul.f32 $6.000000000e+00, v3;
	v8 =	vadd.f32 v8, v10;
	v0 =	vadd.f32 v0, v4  }
0x44: {  	v6 =	vmul.f32 v6, v6;
	v50 =	vand.u32 $0x7FFFFFFF, v24;
	v51 =	vmul.f32 v47, v47  }
0x45: {  	v52 =	vmul.f32 $6.000000000e+00, v9;
	v2 =	vadd.f32 v2, v8;
	v0 =	vsub.f32 v49, v0  }
0x46: {  	p3 =	seq.s32 s9, $0xF;
	v5 =	vadd.f32 v48, v5;
	v4 =	vmul.f32 v50, v14;
	v53 =	vsub.f32 $1.000000000e+00, v51  }
0x47: {  	s8 =	simm.s32 @!p3 $0x40000000;
	s4 =	simm.f32 $1.000000000e+00;
	v2 =	vsub.f32 v52, v2;
	v0 =	vand.u32 $0x7FFFFFFF, v0  }
0x48: {  	s5 =	simm.f32 $1.000000000e+00;
	s8 =	simm.s32 @p0 $0x3F800000;
	v55 =	vsub.f32 $1.000000000e+00, v6;
	s4 =	simm.s32 @!p2 $0x40000000;
	v54 =	vadd.f32 v4, v5;
	v0 =	vmul.f32 v0, v53  }
0x49: {  	s5 =	simm.s32 @!p1 $0x40000000;
	s4 =	sadd.f32 s8, s4;
	v2 =	vand.u32 $0x7FFFFFFF, v2  }
0x4a: {  	v57 =	vadd.f32 v13, v16;
	s5 =	sadd.f32 s8, s5;
	v2 =	vmul.f32 v2, v55;
	v0 =	vadd.f32 v0, v54  }
0x4b: {  	v56 =	vadd.f32 v19, v22;
	v59 =	vadd.f32 s4, v1;
	v58 =	vmul.f32 $1.777777730e+04, v51  }
0x4c: {  	v6 =	vmul.f32 $1.777777730e+04, v6;
	v60 =	vadd.f32 s5, v1;
	v0 =	vadd.f32 v2, v0  }
0x4d: {  	v61 =	vmax.f32 v7, v56;
	v4 =	vadd.f32 v58, v59  }
0x4e: {  	v1 =	vadd.f32 v6, v60;
	v2 =	vmax.f32 v61, v57;
	(xrf2) =	vadd.scan.msk.f32 $0xffff, v0  }
0x4f: {  	v62 =	vmax.f32 v2, v4  }
0x50: {  	v0 =	vmax.f32 v62, v1  }
0x51: {  	(xrf0) =	vmax.scan.msk.f32 $0xffff, v0;
	_ =	sdelay $0x5  }
0x52: {  	v0, _, _ =	vpop (xrf0)  }
0x53: {  	v0 =	vbroadcast v0, $0xF;
	v63, _, _ =	vpop (xrf2)  }
0x54: {  	vm0 =	vcmask $0x704;
	v1 =	vbroadcast v63, $0xF  }
0x55: {  	vm15 =	vcmask $0x3F04;
	v0 =	vnsel vm0, $0x0, v0  }
0x56: {  	s31 =	sshll.u32 s3, $0x4;
	v0 =	vsel vm15, v0, v1  }
0x57: {  	s4 =	sadd.s32 s31, s2;
	s5 =	simm.s32 $0xA80;
	[tilespmem:$0xA80] =	vst v0  }
0x58: {  	[spmem:s4] =	stream.linear.scatter [tilespmem:s5], [sflag:$0x3], $0x10, $0x38;
	[tilespmem:$0xC10] =	vst v63  }
0x59: {  	s4 =	simm.s32 $0x3  }
0x5a: {  	_ =	swait.ge [sflag:s4], $0x10  }
0x5b: {  	[sflag:s4] =	ssyncset.done $0x0  }
0x5c: {  	[sflag:s4] =	ssyncadd.s32 $0xFFFFFFF0  }
0x5d: {  	p0 =	sne.s32 s3, $0x0;
	[bflag:$0x0] =	sbarrier.arrive $0xFFFF  }
0x5e: {  	_ =	sfence.sel @p0 $0x180000  }
0x5f: {  	[bflag:$0x0] =	sbarrier.arrive @p0 $0xFFFF  }
0x60: {  	_ =	strace @p0 $0x90000047  }
0x61: {  	[bflag:$0x2] =	sbarrier.arrive @p0 $0xFFFF  }
0x62: {  	_ =	shalt @p0  }
.LBB2_3:
0x63: {  	v0 =	vlaneseq.u32  }
0x64: {  	v0 =	vmul.u32 $0x10, v0;
	_ =	sdelay $0x1  }
0x65: {  	s3 =	simm.s32 $0xB00;
	v1 =	vor.u32 $0x1, v0  }
0x66: {  	[tilespmem:s3], [sflag:$0x3] =	stream.linear.gather [spmem:s2], $0x100, $0x38;
	[tilespmem:$0xC10] =	vst v63  }
0x67: {  	_ =	swait.ge [sflag:s4], $0x100  }
0x68: {  	[sflag:s4] =	ssyncset.done $0x0  }
0x69: {  	[sflag:s4] =	ssyncadd.s32 $0xFFFFFF00  }
0x6a: {  	v1 =	vld.idx.msk [tilespmem:v1+s3+$0x0], $0xffff;
	_ =	sdelay $0x3  }
0x6b: {  	vm0 =	vmmov $0xf  }
0x6c: {  	vm1 =	vcmask $0xF20;
	v2 =	vnsel vm0, $0x0, v1  }
0x6d: {  	vm2 =	vcmask $0x1F30;
	v0 =	vld.idx.msk [tilespmem:v0+s3+$0x0], $0xffff;
	v48 =	vsel vm1, $0x0, v1;
	(xrf0) =	vmax.scan.msk.f32 $0xffff, v2  }
0x6e: {  	vm3 =	vmmov $0xfff;
	v49 =	vsel vm2, $0x0, v1;
	(xrf0) =	vmax.scan.msk.f32 $0xffff, v48  }
0x6f: {  	v1 =	vsel vm3, $0x0, v1;
	(xrf0) =	vmax.scan.msk.f32 $0xffff, v49  }
0x70: {  	(xrf0) =	vmax.scan.msk.f32 $0xffff, v1;
	_ =	sdelay $0x1  }
0x71: {  	v50 =	vnsel vm0, $0x0, v0  }
0x72: {  	v52 =	vsel vm1, $0x0, v0;
	(xrf2) =	vadd.scan.msk.f32 $0xffff, v50;
	v51, _, _ =	vpop (xrf0)  }
0x73: {  	v53 =	vsel vm2, $0x0, v0;
	(xrf2) =	vadd.scan.msk.f32 $0xffff, v52;
	v3, _, _ =	vpop (xrf0);
	v2 =	vbroadcast v51, $0xF  }
0x74: {  	vm12 =	vmmov $0x1;
	v0 =	vsel vm3, $0x0, v0;
	(xrf2) =	vadd.scan.msk.f32 $0xffff, v53;
	v4, _, _ =	vpop (xrf0);
	v3 =	vbroadcast v3, $0xF  }
0x75: {  	vm13 =	vcmask $0x310;
	(xrf2) =	vadd.scan.msk.f32 $0xffff, v0;
	v54 =	vnsel vm12, $0x3F800000, v2;
	v55 =	vbroadcast v4, $0xF;
	v56, _, _ =	vpop (xrf0)  }
0x76: {  	vm14 =	vcmask $0x710;
	v1 =	vsel vm13, v54, v3;
	v0 =	vbroadcast v56, $0xF  }
0x77: {  	vm15 =	vcmask $0xB10;
	v1 =	vsel vm14, v1, v55  }
0x78: {  	v0 =	vsel vm15, v1, v0  }
0x79: {  	(erf) = vrcp.f32 v0;
	_ =	sdelay $0x2  }
0x7a: {  	v57, _, _ =	vpop (xrf2)  }
0x7b: {  	v58, _, _ =	vpop (xrf2);
	v0 =	vbroadcast v57, $0xF  }
0x7c: {  	v59, _, _ =	vpop (xrf2);
	v1 =	vbroadcast v58, $0xF  }
0x7d: {  	v2 =	vbroadcast v59, $0xF;
	v60, _, _ =	vpop (xrf2);
	v0 =	vnsel vm12, $0x0, v0  }
0x7e: {  	v61 =	vbroadcast v60, $0xF;
	v0 =	vsel vm13, v0, v1  }
0x7f: {  	v0 =	vsel vm14, v0, v2  }
0x80: {  	v0 =	vsel vm15, v0, v61;
	v62 =	vpop (erf)  }
0x81: {  	v0 =	vmul.f32 v62, v0;
	_ =	sdelay $0x1  }
0x82: {  	(xrf2) =	vadd.scan.msk.f32 $0xffff, v0;
	_ =	sdelay $0x9  }
0x83: {  	v0, _, _ =	vpop (xrf2)  }
0x84: {  	(v2sf) =	vpush v0, $0xF;
	_ =	sdelay $0xe  }
0x85: {  	s30 =	spop (v2sf)  }
0x86: {  	s2 =	smul.f32 $6.103515630e-05, s30;
	_ =	sdelay $0x1  }
0x87: {  	v63 =	vmov s2  }
0x88: {  	s31 =	simm.s32 $0x0;
	[tilespmem:$0xA80] =	vst v63  }
0x89: {  	[hbm4b:s1+s31] =	stream.linear.scatter [tilespmem:s5], [sflag:$0x3], $0x80, $0x38;
	[tilespmem:$0xC10] =	vst v63  }
0x8a: {  	_ =	swait.ge [sflag:s4], $0x80  }
0x8b: {  	[sflag:s4] =	ssyncset.done $0x0  }
0x8c: {  	[sflag:s4] =	ssyncadd.s32 $0xFFFFFF80  }
0x8d: {  	_ =	sfence.sel $0x180000  }
0x8e: {  	[bflag:$0x0] =	sbarrier.arrive $0xFFFF  }
0x8f: {  	_ =	strace $0x90000047  }
0x90: {  	s0 =	sadd.s32 $0x100000, s0;
	[bflag:$0x2] =	sbarrier.arrive $0xFFFF  }
0x91: {  	[sflag:s0] =	ssyncadd.tile.s32 $0x1;
	_ =	shalt  }
.Lfunc_end2:
_tile_overlayer_lowered:
.L_overlay_start_2:
0x92: {  	(tag) =	ssettag $0x2  }
0x93: {  	s0 =	rddreg [dreg:$0x0];
	s2 =	stileid.u32  }
0x94: {  	s1 =	rddreg [dreg:$0x1];
	p0 =	sne.s32 s2, $0x0  }
0x95: {  	s3 =	rddreg [dreg:$0x2];
	[bflag:$0x3] =	sbarrier.arrive $0xFFFF;
	s2 =	simm.s32 @!p0 $0x1C03  }
0x96: {  	[timem:s3], [sflag:s2] =	dma.local @!p0 [hbm:s0], s1  }
0x97: {  	s0 =	simm.s32 @!p0 $0x3  }
0x98: {  	_ =	swait.ge @!p0 [sflag:s0], s1  }
0x99: {  	s1 =	ssub.s32 @!p0 $0x0, s1;
	[sflag:s0] =	ssyncset.done @!p0 $0x0  }
0x9a: {  	[sflag:s0] =	ssyncadd.s32 @!p0 s1  }
0x9b: {  	[bflag:$0x3] =	sbarrier.arrive $0xFFFF  }
0x9c: {  	_ =	shalt  }

</sc_bundles>
